<compile_context>
chip_gen: v7x
topology: tpu7x:2x2x1
jax: 0.10.2.dev20260603
libtpu: 0.0.44.dev20260713+nightly
codegen_flags: <defaults>
</compile_context>

<pallas_src>
import functools

import jax
import jax.numpy as jnp
from jax import lax
from jax.experimental import pallas as pl
from jax.experimental.pallas import tpu as pltpu
from jax.experimental.pallas import tpu_sc as plsc

SEQ_LEN = 2048
HIDDEN = 1024
BASE = 10000.0
BATCH = 4

NC, NS, L = 2, 16, 16
NW = NC * NS
POS_PER_W = SEQ_LEN // NW
PCHUNK = 16
N_PCHUNKS = POS_PER_W // PCHUNK


def _rope_tables_signed():
    i = jnp.arange(0, HIDDEN, 2, dtype=jnp.float32)
    theta = (BASE ** (-2.0 * i / HIDDEN))[None, :]
    pos = jnp.arange(0, SEQ_LEN, dtype=jnp.float32)[:, None]
    m_theta = pos @ theta
    cos = jnp.repeat(jnp.cos(m_theta), 2, axis=1)
    sin = jnp.repeat(jnp.sin(m_theta), 2, axis=1)
    sign = jnp.tile(jnp.array([-1.0, 1.0], jnp.float32), HIDDEN // 2)
    return cos, sin * sign[None, :]


def _pair_swap(e, perm):
    dn = lax.GatherDimensionNumbers(
        offset_dims=(), collapsed_slice_dims=(0,), start_index_map=(0,)
    )
    return lax.gather(e, perm[:, None], dn, slice_sizes=(1,),
                      mode=lax.GatherScatterMode.PROMISE_IN_BOUNDS)


def _rope_body(x_hbm, table_hbm, cos_hbm, sin_hbm, out_hbm,
               idx_v, rows_v, cos_v, sin_v, sem):
    wid = lax.axis_index("s") * NC + lax.axis_index("c")
    pos_w = wid * POS_PER_W

    perm = lax.iota(jnp.int32, L) ^ 1

    def pchunk_step(p, _):
        pos0 = pos_w + p * PCHUNK
        pltpu.sync_copy(cos_hbm.at[pl.ds(pos0, PCHUNK)], cos_v)
        pltpu.sync_copy(sin_hbm.at[pl.ds(pos0, PCHUNK)], sin_v)

        def batch_step(b, _):
            pltpu.sync_copy(x_hbm.at[b, pl.ds(pos0, PCHUNK)], idx_v)
            pltpu.async_copy(table_hbm.at[idx_v], rows_v, sem).wait()

            def row_step(r, _):
                def col_step(c, _):
                    for u in range(4):
                        c0 = (c * 4 + u) * L
                        e = rows_v[r, pl.ds(c0, L)]
                        pv = _pair_swap(e, perm)
                        rows_v[r, pl.ds(c0, L)] = (
                            e * cos_v[r, pl.ds(c0, L)]
                            + pv * sin_v[r, pl.ds(c0, L)]
                        )
                    return 0

                lax.fori_loop(0, HIDDEN // (4 * L), col_step, 0, unroll=False)
                return 0

            lax.fori_loop(0, PCHUNK, row_step, 0, unroll=False)
            pltpu.sync_copy(rows_v, out_hbm.at[b, pl.ds(pos0, PCHUNK)])
            return 0

        lax.fori_loop(0, BATCH, batch_step, 0, unroll=False)
        return 0

    lax.fori_loop(0, N_PCHUNKS, pchunk_step, 0, unroll=False)


@functools.partial(jax.jit, static_argnames=())
def kernel(x, table):
    cos, sin_s = _rope_tables_signed()
    mesh = plsc.VectorSubcoreMesh(
        core_axis_name="c", subcore_axis_name="s", num_cores=NC, num_subcores=NS
    )
    run = pl.kernel(
        _rope_body,
        out_type=jax.ShapeDtypeStruct((BATCH, SEQ_LEN, HIDDEN), jnp.float32),
        mesh=mesh,
        scratch_types=[
            pltpu.VMEM((PCHUNK,), jnp.int32),
            pltpu.VMEM((PCHUNK, HIDDEN), jnp.float32),
            pltpu.VMEM((PCHUNK, HIDDEN), jnp.float32),
            pltpu.VMEM((PCHUNK, HIDDEN), jnp.float32),
            pltpu.SemaphoreType.DMA,
        ],
        compiler_params=pltpu.CompilerParams(needs_layout_passes=False),
    )
    return run(x, table, cos, sin_s)

# --- scband reference (transcript-rebuilt; emitter-appended) ---
"""Pipeline reference for scband-rope-embedding-35905926595504 (READ-ONLY COPY).

The authoritative reference and input builder live on the scoring server;
editing this copy changes nothing except your own understanding.
"""

import jax, jax.numpy as jnp
import numpy as np

SEQ_LEN = 2048
HIDDEN = 1024
VOCAB = 100000
BASE = 10000.0
BATCH = 4

def _rope_tables():
    i = jnp.arange(0, HIDDEN, 2, dtype=jnp.float32)
    theta = (BASE ** (-2.0 * i / HIDDEN))[None, :]
    pos = jnp.arange(0, SEQ_LEN, dtype=jnp.float32)[:, None]
    m_theta = pos @ theta
    cos = jnp.repeat(jnp.cos(m_theta), 2, axis=1)
    sin = jnp.repeat(jnp.sin(m_theta), 2, axis=1)
    return cos, sin

def setup_inputs(seed: int = 0):
    key = jax.random.key(seed)
    k1, k2 = jax.random.split(key)
    x = jax.random.randint(k1, (BATCH, SEQ_LEN), 0, VOCAB, dtype=jnp.int32)
    table = jax.random.normal(k2, (VOCAB, HIDDEN), dtype=jnp.float32)
    table = table.at[1].set(0.0)  # padding_idx=1 row is zeros in torch nn.Embedding
    return {"x": x, "table": table}

def reference(x, table):
    cos, sin = _rope_tables()
    seq_len = x.shape[1]
    cos_pos = cos[:seq_len, :][None, :, :]
    sin_pos = sin[:seq_len, :][None, :, :]
    token_emb = jnp.take(table, x, axis=0)
    inv_token_emb = jnp.stack((-token_emb[..., 1::2], token_emb[..., ::2]), axis=-1).reshape(token_emb.shape)
    return token_emb * cos_pos + inv_token_emb * sin_pos

if __name__ == "__main__":
    import jax
    _d = setup_inputs()
    print(jax.jit(kernel)(*tuple(_d.values())))

</pallas_src>

<mosaic_0001>
#map = affine_map<(d0, d1) -> (0, 0)>
#map1 = affine_map<(d0, d1) -> (0, 0, 0)>
module attributes {stable_mosaic.version = 14 : i64} {
  func.func @_rope_body(%arg0: i32, %arg1: i32, %arg2: memref<4x2048xi32, #tpu.memory_space<hbm>>, %arg3: memref<100000x1024xf32, #tpu.memory_space<hbm>>, %arg4: memref<2048x1024xf32, #tpu.memory_space<hbm>>, %arg5: memref<2048x1024xf32, #tpu.memory_space<hbm>>, %arg6: memref<4x2048x1024xf32, #tpu.memory_space<hbm>>, %arg7: memref<16xi32, #tpu.memory_space<vmem>>, %arg8: memref<16x1024xf32, #tpu.memory_space<vmem>>, %arg9: memref<16x1024xf32, #tpu.memory_space<vmem>>, %arg10: memref<16x1024xf32, #tpu.memory_space<vmem>>, %arg11: memref<!tpu.dma_semaphore, #tpu.memory_space<semaphore_mem>>) attributes {dimension_semantics = [#tpu.dimension_semantics<core_parallel>, #tpu.dimension_semantics<subcore_parallel>], iteration_bounds = array<i64: 2, 16>, scalar_prefetch = 0 : i64, scratch_operands = 5 : i64, tpu.core_type = #tpu.core_type<sc_vector_subcore>, window_params = [{transform_indices = #map}, {transform_indices = #map}, {transform_indices = #map}, {transform_indices = #map}, {transform_indices = #map1}]} {
    %mul3A = arith.constant 2 : i32
    %mul3A_0 = arith.muli %arg1, %mul3A : i32
    %add3A = arith.addi %mul3A_0, %arg0 : i32
    %mul3A_1 = arith.constant 64 : i32
    %mul3A_2 = arith.muli %add3A, %mul3A_1 : i32
    %iota3A = tpu.iota {dimensions = array<i32: 0>} : vector<16xi32>
    %xor3A = arith.constant 1 : i32
    %xor3A_3 = vector.broadcast %xor3A : i32 to vector<16xi32>
    %xor3A_4 = arith.xori %iota3A, %xor3A_3 : vector<16xi32>
    %scan3A = arith.constant 0 : i32
    %scan3A_5 = arith.constant 0 : i32
    %scan3A_6 = arith.constant 4 : i32
    %scan3A_7 = arith.addi %scan3A_5, %scan3A_6 : i32
    %scan3A_8 = arith.constant 1 : i32
    %scan3A_9 = scf.for %scan3A_11 = %scan3A_5 to %scan3A_7 step %scan3A_8 iter_args(%scan3A_12 = %scan3A) -> (i32)  : i32 {
      %mul3A_13 = arith.constant 16 : i32
      %mul3A_14 = arith.muli %scan3A_11, %mul3A_13 : i32
      %add3A_15 = arith.addi %mul3A_2, %mul3A_14 : i32
      "tpu.region"() ({
        %run_scoped3A = tpu.sem_alloc : memref<!tpu.dma_semaphore, #tpu.memory_space<semaphore_mem>>
        %dma_start3A = arith.constant 0 : i32
        %dma_start3A_24 = tpu.memref_slice %arg4[%add3A_15, %dma_start3A] : memref<2048x1024xf32, #tpu.memory_space<hbm>> -> memref<16x1024xf32, #tpu.memory_space<hbm>>
        %dma_start3A_25 = arith.constant 0 : i32
        %dma_start3A_26 = tpu.memref_slice %arg4[%add3A_15, %dma_start3A_25] : memref<2048x1024xf32, #tpu.memory_space<hbm>> -> memref<16x1024xf32, #tpu.memory_space<hbm>>
        tpu.enqueue_dma source(%dma_start3A_26 : memref<16x1024xf32, #tpu.memory_space<hbm>>) target(%arg9 : memref<16x1024xf32, #tpu.memory_space<vmem>>) target_semaphore(%run_scoped3A : memref<!tpu.dma_semaphore, #tpu.memory_space<semaphore_mem>>)
        %dma_wait3A = arith.constant 0 : i32
        %dma_wait3A_27 = tpu.memref_slice %arg4[%add3A_15, %dma_wait3A] : memref<2048x1024xf32, #tpu.memory_space<hbm>> -> memref<16x1024xf32, #tpu.memory_space<hbm>>
        %dma_wait3A_28 = arith.constant 0 : i32
        %dma_wait3A_29 = tpu.memref_slice %arg4[%add3A_15, %dma_wait3A_28] : memref<2048x1024xf32, #tpu.memory_space<hbm>> -> memref<16x1024xf32, #tpu.memory_space<hbm>>
        tpu.wait_dma2 semaphore(%run_scoped3A : memref<!tpu.dma_semaphore, #tpu.memory_space<semaphore_mem>>) src(%dma_wait3A_29 : memref<16x1024xf32, #tpu.memory_space<hbm>>) dst(%arg9 : memref<16x1024xf32, #tpu.memory_space<vmem>>)
        tpu.yield
      }) : () -> ()
      "tpu.region"() ({
        %run_scoped3A = tpu.sem_alloc : memref<!tpu.dma_semaphore, #tpu.memory_space<semaphore_mem>>
        %dma_start3A = arith.constant 0 : i32
        %dma_start3A_24 = tpu.memref_slice %arg5[%add3A_15, %dma_start3A] : memref<2048x1024xf32, #tpu.memory_space<hbm>> -> memref<16x1024xf32, #tpu.memory_space<hbm>>
        %dma_start3A_25 = arith.constant 0 : i32
        %dma_start3A_26 = tpu.memref_slice %arg5[%add3A_15, %dma_start3A_25] : memref<2048x1024xf32, #tpu.memory_space<hbm>> -> memref<16x1024xf32, #tpu.memory_space<hbm>>
        tpu.enqueue_dma source(%dma_start3A_26 : memref<16x1024xf32, #tpu.memory_space<hbm>>) target(%arg10 : memref<16x1024xf32, #tpu.memory_space<vmem>>) target_semaphore(%run_scoped3A : memref<!tpu.dma_semaphore, #tpu.memory_space<semaphore_mem>>)
        %dma_wait3A = arith.constant 0 : i32
        %dma_wait3A_27 = tpu.memref_slice %arg5[%add3A_15, %dma_wait3A] : memref<2048x1024xf32, #tpu.memory_space<hbm>> -> memref<16x1024xf32, #tpu.memory_space<hbm>>
        %dma_wait3A_28 = arith.constant 0 : i32
        %dma_wait3A_29 = tpu.memref_slice %arg5[%add3A_15, %dma_wait3A_28] : memref<2048x1024xf32, #tpu.memory_space<hbm>> -> memref<16x1024xf32, #tpu.memory_space<hbm>>
        tpu.wait_dma2 semaphore(%run_scoped3A : memref<!tpu.dma_semaphore, #tpu.memory_space<semaphore_mem>>) src(%dma_wait3A_29 : memref<16x1024xf32, #tpu.memory_space<hbm>>) dst(%arg10 : memref<16x1024xf32, #tpu.memory_space<vmem>>)
        tpu.yield
      }) : () -> ()
      %scan3A_16 = arith.constant 0 : i32
      %scan3A_17 = arith.constant 0 : i32
      %scan3A_18 = arith.constant 4 : i32
      %scan3A_19 = arith.addi %scan3A_17, %scan3A_18 : i32
      %scan3A_20 = arith.constant 1 : i32
      %scan3A_21 = scf.for %scan3A_24 = %scan3A_17 to %scan3A_19 step %scan3A_20 iter_args(%scan3A_25 = %scan3A_16) -> (i32)  : i32 {
        "tpu.region"() ({
          %run_scoped3A = tpu.sem_alloc : memref<!tpu.dma_semaphore, #tpu.memory_space<semaphore_mem>>
          %dma_start3A_38 = tpu.memref_slice %arg2[%scan3A_24, %add3A_15] : memref<4x2048xi32, #tpu.memory_space<hbm>> -> memref<1x16xi32, #tpu.memory_space<hbm>>
          %dma_start3A_39 = tpu.memref_squeeze %dma_start3A_38 : memref<1x16xi32, #tpu.memory_space<hbm>> -> memref<16xi32, #tpu.memory_space<hbm>>
          %dma_start3A_40 = tpu.memref_slice %arg2[%scan3A_24, %add3A_15] : memref<4x2048xi32, #tpu.memory_space<hbm>> -> memref<1x16xi32, #tpu.memory_space<hbm>>
          %dma_start3A_41 = tpu.memref_squeeze %dma_start3A_40 : memref<1x16xi32, #tpu.memory_space<hbm>> -> memref<16xi32, #tpu.memory_space<hbm>>
          tpu.enqueue_dma source(%dma_start3A_41 : memref<16xi32, #tpu.memory_space<hbm>>) target(%arg7 : memref<16xi32, #tpu.memory_space<vmem>>) target_semaphore(%run_scoped3A : memref<!tpu.dma_semaphore, #tpu.memory_space<semaphore_mem>>)
          %dma_wait3A_42 = tpu.memref_slice %arg2[%scan3A_24, %add3A_15] : memref<4x2048xi32, #tpu.memory_space<hbm>> -> memref<1x16xi32, #tpu.memory_space<hbm>>
          %dma_wait3A_43 = tpu.memref_squeeze %dma_wait3A_42 : memref<1x16xi32, #tpu.memory_space<hbm>> -> memref<16xi32, #tpu.memory_space<hbm>>
          %dma_wait3A_44 = tpu.memref_slice %arg2[%scan3A_24, %add3A_15] : memref<4x2048xi32, #tpu.memory_space<hbm>> -> memref<1x16xi32, #tpu.memory_space<hbm>>
          %dma_wait3A_45 = tpu.memref_squeeze %dma_wait3A_44 : memref<1x16xi32, #tpu.memory_space<hbm>> -> memref<16xi32, #tpu.memory_space<hbm>>
          tpu.wait_dma2 semaphore(%run_scoped3A : memref<!tpu.dma_semaphore, #tpu.memory_space<semaphore_mem>>) src(%dma_wait3A_45 : memref<16xi32, #tpu.memory_space<hbm>>) dst(%arg7 : memref<16xi32, #tpu.memory_space<vmem>>)
          tpu.yield
        }) : () -> ()
        %dma_start3A = arith.constant 0 : i32
        %dma_start3A_26 = arith.constant 0 : i32
        %dma_start3A_27 = tpu.memref_slice %arg3[%dma_start3A, %dma_start3A_26] : memref<100000x1024xf32, #tpu.memory_space<hbm>> -> memref<100000x1024xf32, #tpu.memory_space<hbm>>
        tpu.enqueue_indirect_dma source(%dma_start3A_27 : memref<100000x1024xf32, #tpu.memory_space<hbm>>) target(%arg8 : memref<16x1024xf32, #tpu.memory_space<vmem>>) offsets(%arg7 : memref<16xi32, #tpu.memory_space<vmem>>) semaphore(%arg11 : memref<!tpu.dma_semaphore, #tpu.memory_space<semaphore_mem>>)
        %dma_wait3A = arith.constant 0 : i32
        %dma_wait3A_28 = arith.constant 0 : i32
        %dma_wait3A_29 = tpu.memref_slice %arg3[%dma_wait3A, %dma_wait3A_28] : memref<100000x1024xf32, #tpu.memory_space<hbm>> -> memref<100000x1024xf32, #tpu.memory_space<hbm>>
        tpu.wait_indirect_dma semaphore(%arg11 : memref<!tpu.dma_semaphore, #tpu.memory_space<semaphore_mem>>) src(%dma_wait3A_29 : memref<100000x1024xf32, #tpu.memory_space<hbm>>) dst(%arg8 : memref<16x1024xf32, #tpu.memory_space<vmem>>)
        %scan3A_30 = arith.constant 0 : i32
        %scan3A_31 = arith.constant 0 : i32
        %scan3A_32 = arith.constant 16 : i32
        %scan3A_33 = arith.addi %scan3A_31, %scan3A_32 : i32
        %scan3A_34 = arith.constant 1 : i32
        %scan3A_35 = scf.for %scan3A_38 = %scan3A_31 to %scan3A_33 step %scan3A_34 iter_args(%scan3A_39 = %scan3A_30) -> (i32)  : i32 {
          %scan3A_40 = arith.constant 0 : i32
          %scan3A_41 = arith.constant 0 : i32
          %scan3A_42 = arith.constant 16 : i32
          %scan3A_43 = arith.addi %scan3A_41, %scan3A_42 : i32
          %scan3A_44 = arith.constant 1 : i32
          %scan3A_45 = scf.for %scan3A_48 = %scan3A_41 to %scan3A_43 step %scan3A_44 iter_args(%scan3A_49 = %scan3A_40) -> (i32)  : i32 {
            %mul3A_50 = arith.constant 4 : i32
            %mul3A_51 = arith.muli %scan3A_48, %mul3A_50 : i32
            %add3A_52 = arith.constant 0 : i32
            %add3A_53 = arith.addi %mul3A_51, %add3A_52 : i32
            %mul3A_54 = arith.constant 16 : i32
            %mul3A_55 = arith.muli %add3A_53, %mul3A_54 : i32
            %get3A = arith.index_cast %scan3A_38 : i32 to index
            %get3A_56 = arith.index_cast %mul3A_55 : i32 to index
            %get3A_57 = tpu.vector_load %arg8[%get3A, %get3A_56] {strides = array<i32>} : memref<16x1024xf32, #tpu.memory_space<vmem>>, vector<16xf32>,
            %broadcast_in_dim3A = vector.shape_cast %xor3A_4 : vector<16xi32> to vector<16x1xi32>
            %gather3A = vector.shape_cast %broadcast_in_dim3A : vector<16x1xi32> to vector<16xi32>
            %gather3A_58 = tpu.dynamic_gather %get3A_57[%gather3A] in [0] : vector<16xf32>, vector<16xi32> -> vector<16xf32>
            %get3A_59 = arith.index_cast %scan3A_38 : i32 to index
            %get3A_60 = arith.index_cast %mul3A_55 : i32 to index
            %get3A_61 = tpu.vector_load %arg9[%get3A_59, %get3A_60] {strides = array<i32>} : memref<16x1024xf32, #tpu.memory_space<vmem>>, vector<16xf32>,
            %mul3A_62 = arith.mulf %get3A_57, %get3A_61 : vector<16xf32>
            %get3A_63 = arith.index_cast %scan3A_38 : i32 to index
            %get3A_64 = arith.index_cast %mul3A_55 : i32 to index
            %get3A_65 = tpu.vector_load %arg10[%get3A_63, %get3A_64] {strides = array<i32>} : memref<16x1024xf32, #tpu.memory_space<vmem>>, vector<16xf32>,
            %mul3A_66 = arith.mulf %gather3A_58, %get3A_65 : vector<16xf32>
            %add3A_67 = arith.addf %mul3A_62, %mul3A_66 : vector<16xf32>
            %swap3A = arith.index_cast %scan3A_38 : i32 to index
            %swap3A_68 = arith.index_cast %mul3A_55 : i32 to index
            %swap3A_69 = tpu.vector_load %arg8[%swap3A, %swap3A_68] {strides = array<i32>} : memref<16x1024xf32, #tpu.memory_space<vmem>>, vector<16xf32>,
            tpu.vector_store %arg8[%swap3A, %swap3A_68], %add3A_67 {strides = array<i32>} : memref<16x1024xf32, #tpu.memory_space<vmem>>, vector<16xf32>,
            %mul3A_70 = arith.constant 4 : i32
            %mul3A_71 = arith.muli %scan3A_48, %mul3A_70 : i32
            %add3A_72 = arith.constant 1 : i32
            %add3A_73 = arith.addi %mul3A_71, %add3A_72 : i32
            %mul3A_74 = arith.constant 16 : i32
            %mul3A_75 = arith.muli %add3A_73, %mul3A_74 : i32
            %get3A_76 = arith.index_cast %scan3A_38 : i32 to index
            %get3A_77 = arith.index_cast %mul3A_75 : i32 to index
            %get3A_78 = tpu.vector_load %arg8[%get3A_76, %get3A_77] {strides = array<i32>} : memref<16x1024xf32, #tpu.memory_space<vmem>>, vector<16xf32>,
            %broadcast_in_dim3A_79 = vector.shape_cast %xor3A_4 : vector<16xi32> to vector<16x1xi32>
            %gather3A_80 = vector.shape_cast %broadcast_in_dim3A_79 : vector<16x1xi32> to vector<16xi32>
            %gather3A_81 = tpu.dynamic_gather %get3A_78[%gather3A_80] in [0] : vector<16xf32>, vector<16xi32> -> vector<16xf32>
            %get3A_82 = arith.index_cast %scan3A_38 : i32 to index
            %get3A_83 = arith.index_cast %mul3A_75 : i32 to index
            %get3A_84 = tpu.vector_load %arg9[%get3A_82, %get3A_83] {strides = array<i32>} : memref<16x1024xf32, #tpu.memory_space<vmem>>, vector<16xf32>,
            %mul3A_85 = arith.mulf %get3A_78, %get3A_84 : vector<16xf32>
            %get3A_86 = arith.index_cast %scan3A_38 : i32 to index
            %get3A_87 = arith.index_cast %mul3A_75 : i32 to index
            %get3A_88 = tpu.vector_load %arg10[%get3A_86, %get3A_87] {strides = array<i32>} : memref<16x1024xf32, #tpu.memory_space<vmem>>, vector<16xf32>,
            %mul3A_89 = arith.mulf %gather3A_81, %get3A_88 : vector<16xf32>
            %add3A_90 = arith.addf %mul3A_85, %mul3A_89 : vector<16xf32>
            %swap3A_91 = arith.index_cast %scan3A_38 : i32 to index
            %swap3A_92 = arith.index_cast %mul3A_75 : i32 to index
            %swap3A_93 = tpu.vector_load %arg8[%swap3A_91, %swap3A_92] {strides = array<i32>} : memref<16x1024xf32, #tpu.memory_space<vmem>>, vector<16xf32>,
            tpu.vector_store %arg8[%swap3A_91, %swap3A_92], %add3A_90 {strides = array<i32>} : memref<16x1024xf32, #tpu.memory_space<vmem>>, vector<16xf32>,
            %mul3A_94 = arith.constant 4 : i32
            %mul3A_95 = arith.muli %scan3A_48, %mul3A_94 : i32
            %add3A_96 = arith.constant 2 : i32
            %add3A_97 = arith.addi %mul3A_95, %add3A_96 : i32
            %mul3A_98 = arith.constant 16 : i32
            %mul3A_99 = arith.muli %add3A_97, %mul3A_98 : i32
            %get3A_100 = arith.index_cast %scan3A_38 : i32 to index
            %get3A_101 = arith.index_cast %mul3A_99 : i32 to index
            %get3A_102 = tpu.vector_load %arg8[%get3A_100, %get3A_101] {strides = array<i32>} : memref<16x1024xf32, #tpu.memory_space<vmem>>, vector<16xf32>,
            %broadcast_in_dim3A_103 = vector.shape_cast %xor3A_4 : vector<16xi32> to vector<16x1xi32>
            %gather3A_104 = vector.shape_cast %broadcast_in_dim3A_103 : vector<16x1xi32> to vector<16xi32>
            %gather3A_105 = tpu.dynamic_gather %get3A_102[%gather3A_104] in [0] : vector<16xf32>, vector<16xi32> -> vector<16xf32>
            %get3A_106 = arith.index_cast %scan3A_38 : i32 to index
            %get3A_107 = arith.index_cast %mul3A_99 : i32 to index
            %get3A_108 = tpu.vector_load %arg9[%get3A_106, %get3A_107] {strides = array<i32>} : memref<16x1024xf32, #tpu.memory_space<vmem>>, vector<16xf32>,
            %mul3A_109 = arith.mulf %get3A_102, %get3A_108 : vector<16xf32>
            %get3A_110 = arith.index_cast %scan3A_38 : i32 to index
            %get3A_111 = arith.index_cast %mul3A_99 : i32 to index
            %get3A_112 = tpu.vector_load %arg10[%get3A_110, %get3A_111] {strides = array<i32>} : memref<16x1024xf32, #tpu.memory_space<vmem>>, vector<16xf32>,
            %mul3A_113 = arith.mulf %gather3A_105, %get3A_112 : vector<16xf32>
            %add3A_114 = arith.addf %mul3A_109, %mul3A_113 : vector<16xf32>
            %swap3A_115 = arith.index_cast %scan3A_38 : i32 to index
            %swap3A_116 = arith.index_cast %mul3A_99 : i32 to index
            %swap3A_117 = tpu.vector_load %arg8[%swap3A_115, %swap3A_116] {strides = array<i32>} : memref<16x1024xf32, #tpu.memory_space<vmem>>, vector<16xf32>,
            tpu.vector_store %arg8[%swap3A_115, %swap3A_116], %add3A_114 {strides = array<i32>} : memref<16x1024xf32, #tpu.memory_space<vmem>>, vector<16xf32>,
            %mul3A_118 = arith.constant 4 : i32
            %mul3A_119 = arith.muli %scan3A_48, %mul3A_118 : i32
            %add3A_120 = arith.constant 3 : i32
            %add3A_121 = arith.addi %mul3A_119, %add3A_120 : i32
            %mul3A_122 = arith.constant 16 : i32
            %mul3A_123 = arith.muli %add3A_121, %mul3A_122 : i32
            %get3A_124 = arith.index_cast %scan3A_38 : i32 to index
            %get3A_125 = arith.index_cast %mul3A_123 : i32 to index
            %get3A_126 = tpu.vector_load %arg8[%get3A_124, %get3A_125] {strides = array<i32>} : memref<16x1024xf32, #tpu.memory_space<vmem>>, vector<16xf32>,
            %broadcast_in_dim3A_127 = vector.shape_cast %xor3A_4 : vector<16xi32> to vector<16x1xi32>
            %gather3A_128 = vector.shape_cast %broadcast_in_dim3A_127 : vector<16x1xi32> to vector<16xi32>
            %gather3A_129 = tpu.dynamic_gather %get3A_126[%gather3A_128] in [0] : vector<16xf32>, vector<16xi32> -> vector<16xf32>
            %get3A_130 = arith.index_cast %scan3A_38 : i32 to index
            %get3A_131 = arith.index_cast %mul3A_123 : i32 to index
            %get3A_132 = tpu.vector_load %arg9[%get3A_130, %get3A_131] {strides = array<i32>} : memref<16x1024xf32, #tpu.memory_space<vmem>>, vector<16xf32>,
            %mul3A_133 = arith.mulf %get3A_126, %get3A_132 : vector<16xf32>
            %get3A_134 = arith.index_cast %scan3A_38 : i32 to index
            %get3A_135 = arith.index_cast %mul3A_123 : i32 to index
            %get3A_136 = tpu.vector_load %arg10[%get3A_134, %get3A_135] {strides = array<i32>} : memref<16x1024xf32, #tpu.memory_space<vmem>>, vector<16xf32>,
            %mul3A_137 = arith.mulf %gather3A_129, %get3A_136 : vector<16xf32>
            %add3A_138 = arith.addf %mul3A_133, %mul3A_137 : vector<16xf32>
            %swap3A_139 = arith.index_cast %scan3A_38 : i32 to index
            %swap3A_140 = arith.index_cast %mul3A_123 : i32 to index
            %swap3A_141 = tpu.vector_load %arg8[%swap3A_139, %swap3A_140] {strides = array<i32>} : memref<16x1024xf32, #tpu.memory_space<vmem>>, vector<16xf32>,
            tpu.vector_store %arg8[%swap3A_139, %swap3A_140], %add3A_138 {strides = array<i32>} : memref<16x1024xf32, #tpu.memory_space<vmem>>, vector<16xf32>,
            %scan3A_142 = arith.constant 0 : i32
            scf.yield %scan3A_142 : i32
          }
          %scan3A_46 = arith.constant 16 : i32
          %scan3A_47 = arith.constant 0 : i32
          scf.yield %scan3A_47 : i32
        }
        %scan3A_36 = arith.constant 16 : i32
        "tpu.region"() ({
          %run_scoped3A = tpu.sem_alloc : memref<!tpu.dma_semaphore, #tpu.memory_space<semaphore_mem>>
          %dma_start3A_38 = arith.constant 0 : i32
          %dma_start3A_39 = tpu.memref_slice %arg6[%scan3A_24, %add3A_15, %dma_start3A_38] : memref<4x2048x1024xf32, #tpu.memory_space<hbm>> -> memref<1x16x1024xf32, #tpu.memory_space<hbm>>
          %dma_start3A_40 = tpu.memref_squeeze %dma_start3A_39 : memref<1x16x1024xf32, #tpu.memory_space<hbm>> -> memref<16x1024xf32, #tpu.memory_space<hbm>>
          %dma_start3A_41 = arith.constant 0 : i32
          %dma_start3A_42 = tpu.memref_slice %arg6[%scan3A_24, %add3A_15, %dma_start3A_41] : memref<4x2048x1024xf32, #tpu.memory_space<hbm>> -> memref<1x16x1024xf32, #tpu.memory_space<hbm>>
          %dma_start3A_43 = tpu.memref_squeeze %dma_start3A_42 : memref<1x16x1024xf32, #tpu.memory_space<hbm>> -> memref<16x1024xf32, #tpu.memory_space<hbm>>
          tpu.enqueue_dma source(%arg8 : memref<16x1024xf32, #tpu.memory_space<vmem>>) target(%dma_start3A_43 : memref<16x1024xf32, #tpu.memory_space<hbm>>) target_semaphore(%run_scoped3A : memref<!tpu.dma_semaphore, #tpu.memory_space<semaphore_mem>>)
          %dma_wait3A_44 = arith.constant 0 : i32
          %dma_wait3A_45 = tpu.memref_slice %arg6[%scan3A_24, %add3A_15, %dma_wait3A_44] : memref<4x2048x1024xf32, #tpu.memory_space<hbm>> -> memref<1x16x1024xf32, #tpu.memory_space<hbm>>
          %dma_wait3A_46 = tpu.memref_squeeze %dma_wait3A_45 : memref<1x16x1024xf32, #tpu.memory_space<hbm>> -> memref<16x1024xf32, #tpu.memory_space<hbm>>
          %dma_wait3A_47 = arith.constant 0 : i32
          %dma_wait3A_48 = tpu.memref_slice %arg6[%scan3A_24, %add3A_15, %dma_wait3A_47] : memref<4x2048x1024xf32, #tpu.memory_space<hbm>> -> memref<1x16x1024xf32, #tpu.memory_space<hbm>>
          %dma_wait3A_49 = tpu.memref_squeeze %dma_wait3A_48 : memref<1x16x1024xf32, #tpu.memory_space<hbm>> -> memref<16x1024xf32, #tpu.memory_space<hbm>>
          tpu.wait_dma2 semaphore(%run_scoped3A : memref<!tpu.dma_semaphore, #tpu.memory_space<semaphore_mem>>) src(%arg8 : memref<16x1024xf32, #tpu.memory_space<vmem>>) dst(%dma_wait3A_49 : memref<16x1024xf32, #tpu.memory_space<hbm>>)
          tpu.yield
        }) : () -> ()
        %scan3A_37 = arith.constant 0 : i32
        scf.yield %scan3A_37 : i32
      }
      %scan3A_22 = arith.constant 4 : i32
      %scan3A_23 = arith.constant 0 : i32
      scf.yield %scan3A_23 : i32
    }
    %scan3A_10 = arith.constant 4 : i32
    return
  }
}

</mosaic_0001>

<sc_bundles>
// kernel: kernel.3.cloned.1.call-start
scs
__scs_entry_jumppad:
0x0: {  	(pc) =	sbr.rel $0x88, $3  }
0x1: {  	(tag) =	ssettag $0x0;
	lr =	simm.s32 $0x1  }
0x2: {  	[smem:$0x3F9F] =	sst lr;
	_ =	strace $0xD0000000  }
0x3: {  	_ = 	snop  }
0x4: {  	_ = 	snop  }
0x5: {  	_ = 	snop  }
0x6: {  	_ = 	snop  }
0x7: {  	_ = 	snop  }
__scs_overlays_trampoline_lowered:
0x8: {  	[smem:$0x3FAE] =	sst s0  }
0x9: {  	[smem:$0x3FAF] =	sst s1  }
0xa: {  	[smem:$0x3FB0] =	sst s2  }
0xb: {  	[smem:$0x3FB1] =	sst s3  }
0xc: {  	[smem:$0x3FB2] =	sst s4  }
0xd: {  	[smem:$0x3FB3] =	sst s5  }
0xe: {  	[smem:$0x3FB4] =	sst s6  }
0xf: {  	[smem:$0x3FB5] =	sst s7  }
0x10: {  	[smem:$0x3FB6] =	sst s8  }
0x11: {  	[smem:$0x3FB7] =	sst s9;
	s0 =	simm.s32 @!p0 $0x0  }
0x12: {  	s1 =	sld [smem:$0x3F9D];
	s0 =	simm.s32 @p0 $0x1  }
0x13: {  	[smem:$0x3FB8] =	sst s0;
	s0 =	simm.s32 @!p1 $0x0  }
0x14: {  	s2 =	sld [smem:$0x3F9C];
	s0 =	simm.s32 @p1 $0x1  }
0x15: {  	[smem:$0x3FB9] =	sst s0;
	s0 =	simm.s32 @!p2 $0x0  }
0x16: {  	s3 =	sld [smem:$0x3FDB];
	s0 =	simm.s32 @p2 $0x1  }
0x17: {  	s4 =	simm.s32 $0x1BF5;
	[smem:$0x3FBB] =	sst s0  }
0x18: {  	s0 =	sld [smem:$0x3F9E];
	_ =	swait.ge [sflag:s4], $0x0  }
0x19: {  	s7 =	sld [smem:$0x3F9F]  }
0x1a: {  	s8 =	sadd.s32 $0xFFFFE003, lr  }
0x1b: {  	s9 =	sadd.s32 $0xFFFFFEF7, lr;
	s5 =	simm.s32 $0xFFFFFFFF;
	p2 =	slt.u32 s8, $0xFFFFF086  }
0x1c: {  	p1 =	slt.u32 s9, $0xF7A;
	s5 =	simm.s32 @!p2 $0x0  }
0x1d: {  	s5 =	simm.s32 @p1 $0x1;
	p0 =	seq.s32 s7, s2  }
0x1e: {  	s7 =	smul.u32 @!p0 $0xF7A, s2;
	p2 =	seq.s32 @!p0 s5, $0x0  }
0x1f: {  	s9 =	smul.u32 $0xF7A, s1;
	s8 =	simm.s32 @!p0 $0x1BF5;
	p2 =	por !p2, p0  }
0x20: {  	[sflag:s8] =	ssyncset.s32 @!p0 $0xFFFFF086;
	s6 =	sadd.s32 @!p0 s3, s7;
	s7 =	simm.s32 @!p0 $0x108  }
0x21: {  	s3 =	sadd.s32 s3, s9;
	s6 =	sadd.s32 @!p0 $0x88, s6;
	s7 =	simm.s32 @p2 $0x1082  }
0x22: {  	[simem:s7], [sflag:s8] =	dma.local @!p0 [hbm:s6], $0xF7A  }
0x23: {  	s9 =	sor.u32 $0xD0000000, s2;
	s6 =	simm.s32 $0x108;
	_ =	swait.ge @!p0 [sflag:s8], $0x0  }
0x24: {  	s3 =	sadd.s32 $0x88, s3;
	s6 =	simm.s32 @!p1 $0x1082;
	[sflag:s4] =	ssyncset.s32 $0xFFFFF086  }
0x25: {  	[simem:s6], [sflag:s4] =	dma.local [hbm:s3], $0xF7A  }
0x26: {  	[smem:$0x3F9F] =	sst s1;
	(tag) =	ssettag s2;
	_ =	strace s9  }
0x27: {  	s1 =	sld [smem:$0x3FAF]  }
0x28: {  	s2 =	sld [smem:$0x3FB0]  }
0x29: {  	s4 =	sld [smem:$0x3FB2]  }
0x2a: {  	p0 =	seq.s32 s5, $0x0;
	s5 =	sld [smem:$0x3FB3]  }
0x2b: {  	s6 =	sld [smem:$0x3FB4]  }
0x2c: {  	s7 =	sld [smem:$0x3FB5]  }
0x2d: {  	s3 =	simm.s32 $0x108;
	s8 =	sld [smem:$0x3FB6]  }
0x2e: {  	s3 =	simm.s32 @!p0 $0x1082;
	s9 =	sld [smem:$0x3FB7]  }
0x2f: {  	lr =	sadd.s32 s0, s3;
	s0 =	sld [smem:$0x3FAE]  }
0x30: {  	s3 =	sld [smem:$0x3FB1]  }
0x31: {  	[smem:$0x3FBA] =	sst s10  }
0x32: {  	s10 =	sld [smem:$0x3FB8];
	_ =	sdelay $0x3  }
0x33: {  	p0 =	seq.s32 s10, $0x1;
	s10 =	sld [smem:$0x3FBA];
	_ =	sdelay $0x3  }
0x34: {  	[smem:$0x3FBA] =	sst s10  }
0x35: {  	s10 =	sld [smem:$0x3FB9];
	_ =	sdelay $0x3  }
0x36: {  	p1 =	seq.s32 s10, $0x1;
	s10 =	sld [smem:$0x3FBA];
	_ =	sdelay $0x3  }
0x37: {  	[smem:$0x3FBA] =	sst s10  }
0x38: {  	s10 =	sld [smem:$0x3FBB]  }
0x39: {  	_ = 	snop;
	(pc) =	sbr.ind lr, $3  }
0x3a: {  	_ = 	snop  }
0x3b: {  	_ = 	snop  }
0x3c: {  	p2 =	seq.s32 s10, $0x1;
	s10 =	sld [smem:$0x3FBA]  }
0x3d: {  	_ =	shalt  }
0x3e: {  	_ =	shalt  }
0x3f: {  	_ =	shalt  }
0x40: {  	_ =	shalt  }
0x41: {  	_ =	shalt  }
0x42: {  	_ =	shalt  }
0x43: {  	_ =	shalt  }
0x44: {  	_ =	shalt  }
0x45: {  	_ =	shalt  }
0x46: {  	_ =	shalt  }
0x47: {  	_ =	shalt  }
0x48: {  	_ =	shalt  }
0x49: {  	_ =	shalt  }
0x4a: {  	_ =	shalt  }
0x4b: {  	_ =	shalt  }
0x4c: {  	_ =	shalt  }
0x4d: {  	_ =	shalt  }
0x4e: {  	_ =	shalt  }
0x4f: {  	_ =	shalt  }
0x50: {  	_ =	shalt  }
0x51: {  	_ =	shalt  }
0x52: {  	_ =	shalt  }
0x53: {  	_ =	shalt  }
0x54: {  	_ =	shalt  }
0x55: {  	_ =	shalt  }
0x56: {  	_ =	shalt  }
0x57: {  	_ =	shalt  }
0x58: {  	_ =	shalt  }
0x59: {  	_ =	shalt  }
0x5a: {  	_ =	shalt  }
0x5b: {  	_ =	shalt  }
0x5c: {  	_ =	shalt  }
0x5d: {  	_ =	shalt  }
0x5e: {  	_ =	shalt  }
0x5f: {  	_ =	shalt  }
0x60: {  	_ =	shalt  }
0x61: {  	_ =	shalt  }
0x62: {  	_ =	shalt  }
0x63: {  	_ =	shalt  }
0x64: {  	_ =	shalt  }
0x65: {  	_ =	shalt  }
0x66: {  	_ =	shalt  }
0x67: {  	_ =	shalt  }
0x68: {  	_ =	shalt  }
0x69: {  	_ =	shalt  }
0x6a: {  	_ =	shalt  }
0x6b: {  	_ =	shalt  }
0x6c: {  	_ =	shalt  }
0x6d: {  	_ =	shalt  }
0x6e: {  	_ =	shalt  }
0x6f: {  	_ =	shalt  }
0x70: {  	_ =	shalt  }
0x71: {  	_ =	shalt  }
0x72: {  	_ =	shalt  }
0x73: {  	_ =	shalt  }
0x74: {  	_ =	shalt  }
0x75: {  	_ =	shalt  }
0x76: {  	_ =	shalt  }
0x77: {  	_ =	shalt  }
0x78: {  	_ =	shalt  }
0x79: {  	_ =	shalt  }
0x7a: {  	_ =	shalt  }
0x7b: {  	_ =	shalt  }
0x7c: {  	_ =	shalt  }
0x7d: {  	_ =	shalt  }
0x7e: {  	_ =	shalt  }
0x7f: {  	_ =	shalt  }
0x80: {  	_ =	shalt  }
0x81: {  	_ =	shalt  }
0x82: {  	_ =	shalt  }
0x83: {  	_ =	shalt  }
0x84: {  	_ =	shalt  }
0x85: {  	_ =	shalt  }
0x86: {  	_ =	shalt  }
0x87: {  	_ =	shalt  }
.Lfunc_end0:
.L_simem_size_0:
called_computation_lowered:
.L_overlay_start_0:
0x88: {  	s2 =	sld [smem:$0x3FD9]  }
0x89: {  	s3 =	sld [smem:$0x3FFE];
	_ =	sdelay $0x1  }
0x8a: {  	s1 =	srdreg.scid  }
0x8b: {  	s0 =	sand.u32 $0x1, s1  }
0x8c: {  	s17 =	sshll.u32 s0, $0xA;
	s2 =	sadd.s32 s3, s2  }
0x8d: {  	s2 =	sadd.s32 s2, s17  }
0x8e: {  	[smem:$0x3FC6] =	sst s2  }
0x8f: {  	_ = 	snop  }
0x90: {  	s2 =	sld [smem:$0x3FC9]  }
0x91: {  	s18 =	sld [smem:$0x3FC8]  }
0x92: {  	s4 =	sld [smem:$0x3FD0];
	(tm) =	ssettm $0x1  }
0x93: {  	s5 =	sld [smem:$0x3FFB];
	_ =	sdelay $0x3  }
0x94: {  	_ =	strace s5  }
0x95: {  	s5 =	sld [smem:$0x3FFC];
	_ =	sdelay $0x3  }
0x96: {  	_ =	strace s5  }
0x97: {  	s5 =	sld [smem:$0x3FFD];
	_ =	sdelay $0x3  }
0x98: {  	_ =	strace s5  }
0x99: {  	_ =	strace $0x8FFFFFFF  }
0x9a: {  	s19 =	sld [smem:$0x3FDB];
	_ =	sdelay $0x1  }
0x9b: {  	s6 =	simm.s32 $_scs_section_size  }
0x9c: {  	s7 =	simm.s32 $_size__tile_overlayer_lowered;
	s8 =	simm.s32 $_tile_overlayer_lowered  }
0x9d: {  	s22 =	simm.s32 $0x1BFF;
	s21 =	sshll.u32 s8, $0x1;
	s5 =	sadd.s32 s6, s19  }
0x9e: {  	s9 =	simm.s32 $0x0;
	s20 =	sshll.u32 s7, $0x1;
	s7 =	sadd.s32 s21, s5  }
0x9f: {  	[timem:s9], [sflag:s22] =	dma.local [hbm:s7], s20  }
0xa0: {  	_ =	swait.ge [sflag:s22], s20  }
0xa1: {  	s6 =	ssub.s32 $0x0, s20;
	[sflag:s22] =	ssyncset.done $0x0  }
0xa2: {  	[sflag:s22] =	ssyncadd.s32 s6;
	_ =	sdelay $0x1  }
0xa3: {  	s23 =	simm.s32 $0x1B8B  }
0xa4: {  	_ =	swait.ge [sflag:s23], $0x1  }
0xa5: {  	[sflag:s23] =	ssyncset.done $0x0  }
0xa6: {  	s25 =	simm.s32 $0x1B8E;
	s24 =	sld [smem:$0x3FFE];
	[sflag:s23] =	ssyncadd.s32 $0xFFFFFFFF  }
0xa7: {  	s26 =	simm.s32 $execute0_lowered;
	[smem:$0x3FD2] =	sst s25  }
0xa8: {  	s7 =	sshll.u32 s26, $0x1;
	_ =	strace $0x80000046;
	[dreg:$0x1] =	wrdreg $0xFFFFFFFF  }
0xa9: {  	s28 =	simm.s32 $_size_execute0_lowered;
	s5 =	sadd.s32 s5, s7;
	[dreg:$0x0] =	wrdreg $0x0  }
0xaa: {  	s7 =	sshll.u32 s28, $0x1;
	[dreg:$0x2] =	wrdreg s5  }
0xab: {  	[dreg:$0x3] =	wrdreg s7  }
0xac: {  	[dreg:$0x4] =	wrdreg $0xC0  }
0xad: {  	_ =	task [dreg:s9], $0x5FFFF  }
0xae: {  	[dreg:$0x1] =	wrdreg $0xFFFFFFFF  }
0xaf: {  	[dreg:$0x0] =	wrdreg $0x60  }
0xb0: {  	[dreg:$0x2] =	wrdreg s2  }
0xb1: {  	[dreg:$0x3] =	wrdreg s18  }
0xb2: {  	[dreg:$0x4] =	wrdreg s24  }
0xb3: {  	[dreg:$0x5] =	wrdreg s4  }
0xb4: {  	[dreg:$0x6] =	wrdreg $0x9  }
0xb5: {  	_ =	task.clear_ibuf [dreg:s9], $0x7FFFF;
	_ =	strace $0x90000046  }
0xb6: {  	s29 =	simm.s32 $0x9;
	_ =	strace $0x80000048  }
0xb7: {  	_ =	swait.ge [sflag:s29], $0x1  }
0xb8: {  	[sflag:s29] =	ssyncadd.s32 $0xFFFFFFFF  }
0xb9: {  	_ =	strace $0x90000048  }
0xba: {  	_ =	sfence  }
0xbb: {  	s30 =	sld [smem:$0x0];
	_ =	sdelay $0x2  }
0xbc: {  	s31 =	sshll.u32 s1, $0xD;
	s1 =	sshrl.u32 s1, $0x2  }
0xbd: {  	s3 =	sand.u32 $0x4000, s31;
	s1 =	sadd.s32 s1, s30  }
0xbe: {  	s0 =	sor.u32 s3, s0;
	s1 =	sshll.u32 s1, $0x11  }
0xbf: {  	s0 =	sor.u32 s1, s0  }
0xc0: {  	s0 =	sadd.s32 $0x8F2B, s0  }
0xc1: {  	[sflag:s0] =	ssyncadd.remote.s32 $0x1  }
0xc2: {  	_ =	sfence.sel $0xFFFF  }
0xc3: {  	[dreg:$0x0] =	wrdreg $0xFFFFFFFF;
	(pc) =	sbr.abs _section_cstart, $3  }
0xc4: {  	[dreg:$0x1] =	wrdreg $0xFFFFFFFF  }
0xc5: {  	_ =	task.clear_ibuf [dreg:s9], $0x2FFFF;
	_ =	strace $0x9FFFFFFF  }
0xc6: {  	(tm) =	ssettm $0x7FFFFFFF  }
0xc7: {  	_ =	shalt  }
tec
execute0_lowered:
.L_overlay_start_1:
0x0: {  	(tag) =	ssettag $0x1  }
0x1: {  	s1 =	rddreg [dreg:$0x0]  }
0x2: {  	s2 =	rddreg [dreg:$0x1]  }
0x3: {  	s0 =	rddreg [dreg:$0x2];
	s4 =	simm.s32 $0x0  }
0x4: {  	s3 =	srdreg.scid;
	s6 =	stileid.u32;
	s16 =	simm.s32 $0x2  }
0x5: {  	s18 =	simm.s32 $0x80;
	s19 =	simm.s32 $0x880;
	s20 =	simm.s32 $0x1080  }
0x6: {  	s21 =	simm.s32 $0x1880;
	s22 =	simm.s32 $0x2080;
	s23 =	simm.s32 $0x2880  }
0x7: {  	v0 =	vimm.s32 $0xEFCDAB89;
	v1 =	vimm.s32 $0x67452301;
	s24 =	simm.s32 $0x3080;
	s25 =	simm.s32 $0x3880;
	s26 =	simm.s32 $0x1  }
0x8: {  	s30 =	simm.s32 $0x0;
	[smem:$0x7FF] =	sst s4;
	s3 =	sand.u32 $0x1, s3;
	v0 =	vunpack.c.l.s4.s8 v0;
	v1 =	vunpack.c.l.s4.s8 v1  }
0x9: {  	s5 =	sadd.s32 $0x600, s0;
	s0 =	sadd.s32 $0x40600, s0;
	s9 =	sshll.u32 s6, $0xE  }
0xa: {  	s10 =	sshll.u32 s6, $0x9;
	s11 =	sadd.s32 $0x100, s2;
	s29 =	ssub.s32 $0x2, s3;
	v0 =	vunpack.c.0.s8.s32 v0;
	v1 =	vunpack.c.0.s8.s32 v1  }
0xb: {  	_ =	strace $0x80000047;
	[dreg:$0x5] =	wrdreg s5;
	s31 =	sshrl.u32 s29, $0x1  }
0xc: {  	v2 =	vlaneseq.u32;
	[dreg:$0x6] =	wrdreg s0;
	s3 =	sshll.u32 s3, $0x6;
	s0 =	ssub.s32 s29, s31;
	v4 =	vcombine.low v1, v0  }
0xd: {  	vm0 =	vmmov $0xffff;
	s12 =	sadd.s32 $0x200, s2;
	v3 =	vshrl.u32 v2, $0x3;
	[dreg:$0x7] =	wrdreg s3;
	s0 =	smax.u32 s0, $0x1;
	v0 =	vand.u32 $0x7, v2  }
0xe: {  	s13 =	sadd.s32 $0x300, s2;
	s3 =	simm.s32 $0x0;
	v1 =	vmul.u32 $0x8, v3;
	v2 =	vor.u32 $0x8, v2;
	[dreg:$0x8] =	wrdreg s0;
	v3 =	vand.u32 $0xF, v4  }
.LBB2_1:
0xf: {  	[dreg:$0x9] =	wrdreg s3;
	s29 =	simm.s32 $0x0  }
.LBB2_2:
0x10: {  	s0 =	sshll.u32 s29, $0x4;
	s3 =	rddreg [dreg:$0x7]  }
0x11: {  	s0 =	sadd.s32 s3, s0  }
0x12: {  	s3 =	sshll.u32 s0, $0x7  }
0x13: {  	s5 =	rddreg [dreg:$0x5];
	s3 =	sadd.s32 s9, s3  }
0x14: {  	s6 =	simm.s32 $0x4080;
	s5 =	sadd.s32 s5, s3  }
0x15: {  	[tilespmem:s6], [sflag:$0x2] =	stream.linear.gather [hbm4b:s5+s30], $0x4000, $0x38;
	[tilespmem:$0xC080] =	vst v63  }
0x16: {  	_ =	swait.ge [sflag:s16], $0x4000  }
0x17: {  	[sflag:s16] =	ssyncset.done $0x0;
	s15 =	rddreg [dreg:$0x6]  }
0x18: {  	s17 =	simm.s32 $0x8080;
	[sflag:s16] =	ssyncadd.s32 $0xFFFFC000;
	s5 =	sadd.s32 s15, s3  }
0x19: {  	[tilespmem:s17], [sflag:$0x2] =	stream.linear.gather [hbm4b:s5+s30], $0x4000, $0x38;
	[tilespmem:$0xC080] =	vst v63  }
0x1a: {  	_ =	swait.ge [sflag:s16], $0x4000  }
0x1b: {  	[sflag:s16] =	ssyncset.done $0x0  }
0x1c: {  	[sflag:s16] =	ssyncadd.s32 $0xFFFFC000  }
0x1d: {  	s28 =	rddreg [dreg:$0x3]  }
0x1e: {  	s31 =	sadd.s32 s0, s10;
	s5 =	simm.s32 $0x0;
	s0 =	sadd.s32 s28, s3  }
.LBB2_3:
0x1f: {  	s3 =	sshll.u32 s5, $0x7  }
0x20: {  	s3 =	sadd.s32 s31, s3  }
0x21: {  	s3 =	sshrl.u32 s3, $0x3  }
0x22: {  	s3 =	sadd.s32 s1, s3  }
0x23: {  	[tilespmem:s30], [sflag:$0x2] =	stream.linear.gather [hbm4b:s3+s30], $0x10, $0x38;
	[tilespmem:$0xC080] =	vst v63  }
0x24: {  	_ =	swait.ge [sflag:s16], $0x10  }
0x25: {  	[sflag:s16] =	ssyncset.done $0x0  }
0x26: {  	[sflag:s16] =	ssyncadd.s32 $0xFFFFFFF0  }
0x27: {  	v4 =	vld [tilespmem:$0x0];
	_ =	sdelay $0x4  }
0x28: {  	v5 =	vshll.u32 v4, $0x3  }
0x29: {  	v4 =	vand.u32 $0x7, v4;
	v5 =	vand.u32 $0xFFFFFFC0, v5  }
0x2a: {  	v4 =	vor.u32 v4, v5  }
0x2b: {  	v5 =	vperm.xlane v4, v0;
	_ =	sdelay $0x1  }
0x2c: {  	v5 =	vadd.s32 v1, v5;
	_ =	sdelay $0x4  }
0x2d: {  	[tilespmem:s18], [sflag:$0x1] =	stream.indirect_vreg.gather [hbm4b:s2+s30], $0x80, v5, vm0, $0xb8;
	[tilespmem:$0xC080] =	vst v63  }
0x2e: {  	v4 =	vperm.xlane v4, v2  }
0x2f: {  	[tilespmem:s19], [sflag:$0x1] =	stream.indirect_vreg.gather [hbm4b:s11+s30], $0x80, v5, vm0, $0xb8;
	[tilespmem:$0xC080] =	vst v63  }
0x30: {  	v4 =	vadd.s32 v1, v4  }
0x31: {  	[tilespmem:s20], [sflag:$0x1] =	stream.indirect_vreg.gather [hbm4b:s12+s30], $0x80, v5, vm0, $0xb8;
	[tilespmem:$0xC080] =	vst v63  }
0x32: {  	_ = 	snop  }
0x33: {  	[tilespmem:s21], [sflag:$0x1] =	stream.indirect_vreg.gather [hbm4b:s13+s30], $0x80, v5, vm0, $0xb8;
	[tilespmem:$0xC080] =	vst v63  }
0x34: {  	_ = 	snop  }
0x35: {  	[tilespmem:s22], [sflag:$0x1] =	stream.indirect_vreg.gather [hbm4b:s2+s30], $0x80, v4, vm0, $0xb8;
	[tilespmem:$0xC080] =	vst v63  }
0x36: {  	_ = 	snop  }
0x37: {  	[tilespmem:s23], [sflag:$0x1] =	stream.indirect_vreg.gather [hbm4b:s11+s30], $0x80, v4, vm0, $0xb8;
	[tilespmem:$0xC080] =	vst v63  }
0x38: {  	_ = 	snop  }
0x39: {  	[tilespmem:s24], [sflag:$0x1] =	stream.indirect_vreg.gather [hbm4b:s12+s30], $0x80, v4, vm0, $0xb8;
	[tilespmem:$0xC080] =	vst v63  }
0x3a: {  	_ = 	snop  }
0x3b: {  	[tilespmem:s25], [sflag:$0x1] =	stream.indirect_vreg.gather [hbm4b:s13+s30], $0x80, v4, vm0, $0xb8;
	[tilespmem:$0xC080] =	vst v63  }
0x3c: {  	_ =	swait.ge [sflag:s26], $0x4000  }
0x3d: {  	[sflag:s26] =	ssyncset.done $0x0  }
0x3e: {  	s14 =	simm.s32 $0x0;
	[sflag:s26] =	ssyncadd.s32 $0xFFFFC000  }
.LBB2_4:
0x3f: {  	s3 =	sshll.u32 s14, $0xA;
	s15 =	sshll.u32 s14, $0x7  }
0x40: {  	s17 =	sand.u32 $0x2000, s3;
	s15 =	sand.u32 $0x380, s15;
	s3 =	simm.s32 $0x0  }
0x41: {  	s15 =	sor.u32 s17, s15;
	s8 =	sand.u32 $0x40, s3  }
0x42: {  	s28 =	sand.u32 $0x1C00, s3;
	s17 =	sor.u32 s8, s15  }
0x43: {  	s28 =	sor.u32 s28, s17  }
0x44: {  	v5 =	vld [tilespmem:s28+$0x80A0]  }
0x45: {  	v4 =	vld [tilespmem:s28+$0x8090]  }
0x46: {  	v8 =	vld [tilespmem:s28+$0x4080]  }
0x47: {  	v7 =	vld [tilespmem:s28+$0x4090]  }
0x48: {  	v6 =	vld [tilespmem:s28+$0x8080]  }
0x49: {  	v12 =	vld [tilespmem:s28+$0x80]  }
0x4a: {  	v11 =	vld [tilespmem:s28+$0x90]  }
0x4b: {  	v9 =	vld [tilespmem:s28+$0xA0]  }
0x4c: {  	s17 =	simm.s32 $0x40;
	v10 =	vld [tilespmem:s28+$0x40A0]  }
.LBB2_5:
0x4d: {  	s7 =	smov.u32 s17  }
0x4e: {  	s6 =	sand.u32 $0x40, s17;
	v13 =	vld [tilespmem:s28+$0xB0];
	s3 =	sadd.s32 $0x200, s3;
	s7 =	sadd.s32 $0x40, s17  }
0x4f: {  	p0 =	sne.s32 s17, $0x3C0;
	s8 =	sand.u32 $0x1C00, s3;
	s6 =	sor.u32 s6, s15;
	v14 =	vperm.xlane v12, v3;
	v12 =	vmul.f32 v8, v12;
	v15 =	vld [tilespmem:s28+$0x80B0]  }
0x50: {  	s6 =	sor.u32 s8, s6;
	v8 =	vperm.xlane v11, v3;
	v11 =	vmul.f32 v7, v11;
	v16 =	vld [tilespmem:s28+$0x40B0]  }
0x51: {  	v6 =	vmul.f32 v6, v14;
	v7 =	vperm.xlane v9, v3;
	v17 =	vld [tilespmem:s6+$0x80A0]  }
0x52: {  	v14 =	vmul.f32 v4, v8;
	v9 =	vmul.f32 v10, v9;
	v4 =	vld [tilespmem:s6+$0x8090]  }
0x53: {  	v10 =	vadd.f32 v6, v12;
	v18 =	vmul.f32 v5, v7;
	v12 =	vperm.xlane v13, v3;
	v8 =	vld [tilespmem:s6+$0x4080]  }
0x54: {  	v11 =	vadd.f32 v14, v11;
	v7 =	vld [tilespmem:s6+$0x4090]  }
.Ltmp0:
0x55: {  	v9 =	vadd.f32 v18, v9;
	v6 =	vld [tilespmem:s6+$0x8080];
	[tilespmem:s28+$0x80] =	vst v10;
	v10 =	vmul.f32 v16, v13;
	v13 =	vmul.f32 v15, v12;
	(pc) =	sbr.rel @p0 .LBB2_5-.Ltmp0, $4  }
0x56: {  	v12 =	vld [tilespmem:s6+$0x80];
	[tilespmem:s28+$0x90] =	vst v11;
	v5 =	vmov v17  }
0x57: {  	v11 =	vld [tilespmem:s6+$0x90];
	[tilespmem:s28+$0xA0] =	vst v9;
	v13 =	vadd.f32 v13, v10  }
0x58: {  	v9 =	vld [tilespmem:s6+$0xA0]  }
0x59: {  	s17 =	smov.u32 s7;
	v10 =	vld [tilespmem:s6+$0x40A0];
	[tilespmem:s28+$0xB0] =	vst v13;
	s28 =	smov.u32 s6  }
0x5a: {  	v13 =	vld [tilespmem:s28+$0xB0]  }
0x5b: {  	v14 =	vld [tilespmem:s28+$0x80B0]  }
0x5c: {  	v57 =	vld [tilespmem:s28+$0x40B0];
	v15 =	vperm.xlane v12, v3;
	v8 =	vmul.f32 v8, v12  }
0x5d: {  	v7 =	vmul.f32 v7, v11;
	v58 =	vperm.xlane v11, v3  }
0x5e: {  	v6 =	vmul.f32 v6, v15;
	v59 =	vperm.xlane v9, v3  }
0x5f: {  	s14 =	sadd.s32 $0x1, s14;
	v4 =	vmul.f32 v4, v58;
	v60 =	vperm.xlane v13, v3  }
0x60: {  	p0 =	sne.s32 s14, $0x10;
	v61 =	vmul.f32 v10, v9;
	v6 =	vadd.f32 v6, v8;
	v5 =	vmul.f32 v5, v59  }
.Ltmp1:
0x61: {  	v62 =	vmul.f32 v57, v13;
	v4 =	vadd.f32 v4, v7;
	v63 =	vmul.f32 v14, v60;
	(pc) =	sbr.rel @p0 .LBB2_4-.Ltmp1, $4  }
0x62: {  	[tilespmem:s28+$0x80] =	vst v6;
	v5 =	vadd.f32 v5, v61  }
0x63: {  	[tilespmem:s28+$0x90] =	vst v4;
	v4 =	vadd.f32 v63, v62  }
0x64: {  	[tilespmem:s28+$0xA0] =	vst v5  }
0x65: {  	[tilespmem:s28+$0xB0] =	vst v4  }
0x66: {  	s3 =	sshll.u32 s5, $0x12;
	s5 =	sadd.s32 $0x1, s5  }
0x67: {  	p0 =	sne.s32 s5, $0x4  }
.Ltmp2:
0x68: {  	s3 =	sadd.s32 s3, s0;
	(pc) =	sbr.rel @p0 .LBB2_3-.Ltmp2, $4  }
0x69: {  	[hbm4b:s3+s4] =	stream.linear.scatter [tilespmem:s18], [sflag:$0x2], $0x4000, $0x38;
	[tilespmem:$0xC080] =	vst v63  }
0x6a: {  	_ =	swait.ge [sflag:s16], $0x4000  }
0x6b: {  	[sflag:s16] =	ssyncset.done $0x0  }
0x6c: {  	[sflag:s16] =	ssyncadd.s32 $0xFFFFC000  }
0x6d: {  	s29 =	sadd.s32 $0x1, s29  }
0x6e: {  	p0 =	sne.s32 s29, $0x4  }
.Ltmp3:
0x6f: {  	_ = 	snop;
	(pc) =	sbr.rel @p0 .LBB2_2-.Ltmp3, $1  }
0x70: {  	_ =	sdelay $0x3  }
0x71: {  	s3 =	rddreg [dreg:$0x9]  }
0x72: {  	s0 =	rddreg [dreg:$0x8];
	s3 =	sadd.s32 $0x1, s3  }
0x73: {  	p0 =	sne.s32 s3, s0  }
.Ltmp4:
0x74: {  	_ = 	snop;
	(pc) =	sbr.rel @p0 .LBB2_1-.Ltmp4, $1  }
0x75: {  	_ =	sdelay $0x3  }
0x76: {  	_ =	sfence.sel $0x180000  }
0x77: {  	[bflag:$0x0] =	sbarrier.arrive $0xFFFF  }
0x78: {  	_ =	strace $0x90000047  }
0x79: {  	s0 =	stileid.u32;
	[bflag:$0x2] =	sbarrier.arrive $0xFFFF  }
0x7a: {  	p0 =	sne.s32 s0, $0x0;
	s0 =	rddreg [dreg:$0x4]  }
0x7b: {  	s0 =	sadd.s32 @!p0 $0x100000, s0  }
0x7c: {  	[sflag:s0] =	ssyncadd.tile.s32 @!p0 $0x1;
	_ =	shalt  }
.Lfunc_end2:
_tile_overlayer_lowered:
.L_overlay_start_2:
0x7d: {  	(tag) =	ssettag $0x2  }
0x7e: {  	s0 =	rddreg [dreg:$0x0];
	s2 =	stileid.u32  }
0x7f: {  	s1 =	rddreg [dreg:$0x1];
	p0 =	sne.s32 s2, $0x0  }
0x80: {  	s3 =	rddreg [dreg:$0x2];
	[bflag:$0x3] =	sbarrier.arrive $0xFFFF;
	s2 =	simm.s32 @!p0 $0x1C02  }
0x81: {  	[timem:s3], [sflag:s2] =	dma.local @!p0 [hbm:s0], s1  }
0x82: {  	s0 =	simm.s32 @!p0 $0x2  }
0x83: {  	_ =	swait.ge @!p0 [sflag:s0], s1  }
0x84: {  	s1 =	ssub.s32 @!p0 $0x0, s1;
	[sflag:s0] =	ssyncset.done @!p0 $0x0  }
0x85: {  	[sflag:s0] =	ssyncadd.s32 @!p0 s1  }
0x86: {  	[bflag:$0x3] =	sbarrier.arrive $0xFFFF  }
0x87: {  	_ =	shalt  }

</sc_bundles>
